<compile_context>
chip_gen: v7x
topology: tpu7x:2x2x1
jax: 0.10.2.dev20260603
libtpu: 0.0.44.dev20260713+nightly
codegen_flags: <defaults>
</compile_context>

<pallas_src>
import functools

import jax
import jax.numpy as jnp
from jax import lax
from jax.experimental import pallas as pl
from jax.experimental.pallas import tpu as pltpu
from jax.experimental.pallas import tpu_sc as plsc

NUM_CORES = 2
NUM_SUBCORES = 16
NUM_WORKERS = NUM_CORES * NUM_SUBCORES


@functools.partial(jax.jit, static_argnames=("batch", "dim"))
def _embed_lookup(y, embeddings, batch, dim):
    b_per_w = batch // NUM_WORKERS
    chunk = 16
    n_bufs = 7
    n_chunks = b_per_w // chunk

    mesh = plsc.VectorSubcoreMesh(core_axis_name="c", subcore_axis_name="s")

    @functools.partial(
        pl.kernel,
        mesh=mesh,
        out_type=jax.ShapeDtypeStruct((batch, dim), jnp.float32),
        scratch_types=[
            pltpu.VMEM((b_per_w,), jnp.int32),
        ]
        + [pltpu.VMEM((chunk, dim), jnp.float32) for _ in range(n_bufs)]
        + [
            pltpu.SemaphoreType.DMA,
            pltpu.SemaphoreType.DMA,
        ],
    )
    def k(table_hbm, idx_hbm, out_hbm, idx_v, *rest):
        bufs = rest[:n_bufs]
        gsem, ssem = rest[n_bufs:]
        wid = lax.axis_index("s") * NUM_CORES + lax.axis_index("c")
        base = wid * b_per_w
        pltpu.sync_copy(idx_hbm.at[pl.ds(base, b_per_w)], idx_v)

        def gather(c, buf):
            return pltpu.make_async_copy(
                table_hbm.at[idx_v.at[pl.ds(c * chunk, chunk)]], buf, gsem
            )

        def store(c, buf):
            return pltpu.make_async_copy(
                buf, out_hbm.at[pl.ds(base + c * chunk, chunk)], ssem
            )

        for c in range(min(n_bufs, n_chunks)):
            gather(c, bufs[c % n_bufs]).start()
        for c in range(n_chunks):
            buf = bufs[c % n_bufs]
            gather(c, buf).wait()
            store(c, buf).start()
            nxt = c + n_bufs
            if nxt < n_chunks:
                store(c, buf).wait()
                gather(nxt, buf).start()
        for c in range(max(0, n_chunks - n_bufs), n_chunks):
            store(c, bufs[c % n_bufs]).wait()

    return k(embeddings, y)


def kernel(y, embeddings):
    batch = y.shape[0]
    dim = embeddings.shape[1]
    return _embed_lookup(y.astype(jnp.int32), embeddings, batch, dim)

# --- scband reference (transcript-rebuilt; emitter-appended) ---
"""Pipeline reference for scband-label-embed-80255758893535 (READ-ONLY COPY).

The authoritative reference and input builder live on the scoring server;
editing this copy changes nothing except your own understanding.
"""

import jax, jax.numpy as jnp
import numpy as np

NUM_CLASSES = 1000
EMBED_DIM = 1024
BATCH = 4096


def setup_inputs(seed: int = 0) -> dict:
    key = jax.random.key(seed)
    k_idx, k_tab = jax.random.split(key)
    y = jax.random.randint(k_idx, (BATCH,), 0, NUM_CLASSES + 1, dtype=jnp.int64 if jax.config.jax_enable_x64 else jnp.int32)
    # Embedding table for (num_classes + 1) entries, incl. the null (CFG) class.
    embeddings = jax.random.normal(k_tab, (NUM_CLASSES + 1, EMBED_DIM), dtype=jnp.float32) * 0.02
    return {"y": y, "embeddings": embeddings}


def reference(y, embeddings):
    # nn.Embed(num_classes + 1, embed_dim)(y) == table[y]
    return jnp.take(embeddings, y, axis=0)

if __name__ == "__main__":
    import jax
    _d = setup_inputs()
    print(jax.jit(kernel)(*tuple(_d.values())))

</pallas_src>

<mosaic_0001>
#map = affine_map<(d0, d1) -> (0, 0)>
#map1 = affine_map<(d0, d1) -> (0)>
module attributes {stable_mosaic.version = 14 : i64} {
  func.func @k(%arg0: i32, %arg1: i32, %arg2: memref<1001x1024xf32, #tpu.memory_space<hbm>>, %arg3: memref<4096xi32, #tpu.memory_space<hbm>>, %arg4: memref<4096x1024xf32, #tpu.memory_space<hbm>>, %arg5: memref<128xi32, #tpu.memory_space<vmem>>, %arg6: memref<16x1024xf32, #tpu.memory_space<vmem>>, %arg7: memref<16x1024xf32, #tpu.memory_space<vmem>>, %arg8: memref<16x1024xf32, #tpu.memory_space<vmem>>, %arg9: memref<16x1024xf32, #tpu.memory_space<vmem>>, %arg10: memref<16x1024xf32, #tpu.memory_space<vmem>>, %arg11: memref<16x1024xf32, #tpu.memory_space<vmem>>, %arg12: memref<16x1024xf32, #tpu.memory_space<vmem>>, %arg13: memref<!tpu.dma_semaphore, #tpu.memory_space<semaphore_mem>>, %arg14: memref<!tpu.dma_semaphore, #tpu.memory_space<semaphore_mem>>) attributes {dimension_semantics = [#tpu.dimension_semantics<core_parallel>, #tpu.dimension_semantics<subcore_parallel>], iteration_bounds = array<i64: 2, 16>, scalar_prefetch = 0 : i64, scratch_operands = 10 : i64, tpu.core_type = #tpu.core_type<sc_vector_subcore>, window_params = [{transform_indices = #map}, {transform_indices = #map1}, {transform_indices = #map}]} {
    %mul3A = arith.constant 2 : i32
    %mul3A_0 = arith.muli %arg1, %mul3A : i32
    %add3A = arith.addi %mul3A_0, %arg0 : i32
    %mul3A_1 = arith.constant 128 : i32
    %mul3A_2 = arith.muli %add3A, %mul3A_1 : i32
    "tpu.region"() ({
      %run_scoped3A = tpu.sem_alloc : memref<!tpu.dma_semaphore, #tpu.memory_space<semaphore_mem>>
      %dma_start3A_177 = tpu.memref_slice %arg3[%mul3A_2] : memref<4096xi32, #tpu.memory_space<hbm>> -> memref<128xi32, #tpu.memory_space<hbm>>
      %dma_start3A_178 = tpu.memref_slice %arg3[%mul3A_2] : memref<4096xi32, #tpu.memory_space<hbm>> -> memref<128xi32, #tpu.memory_space<hbm>>
      tpu.enqueue_dma source(%dma_start3A_178 : memref<128xi32, #tpu.memory_space<hbm>>) target(%arg5 : memref<128xi32, #tpu.memory_space<vmem>>) target_semaphore(%run_scoped3A : memref<!tpu.dma_semaphore, #tpu.memory_space<semaphore_mem>>)
      %dma_wait3A_179 = tpu.memref_slice %arg3[%mul3A_2] : memref<4096xi32, #tpu.memory_space<hbm>> -> memref<128xi32, #tpu.memory_space<hbm>>
      %dma_wait3A_180 = tpu.memref_slice %arg3[%mul3A_2] : memref<4096xi32, #tpu.memory_space<hbm>> -> memref<128xi32, #tpu.memory_space<hbm>>
      tpu.wait_dma2 semaphore(%run_scoped3A : memref<!tpu.dma_semaphore, #tpu.memory_space<semaphore_mem>>) src(%dma_wait3A_180 : memref<128xi32, #tpu.memory_space<hbm>>) dst(%arg5 : memref<128xi32, #tpu.memory_space<vmem>>)
      tpu.yield
    }) : () -> ()
    %dma_start3A = arith.constant 0 : i32
    %dma_start3A_3 = tpu.memref_slice %arg5[%dma_start3A] : memref<128xi32, #tpu.memory_space<vmem>> -> memref<16xi32, #tpu.memory_space<vmem>>
    %dma_start3A_4 = arith.constant 0 : i32
    %dma_start3A_5 = arith.constant 0 : i32
    %dma_start3A_6 = tpu.memref_slice %arg2[%dma_start3A_4, %dma_start3A_5] : memref<1001x1024xf32, #tpu.memory_space<hbm>> -> memref<1001x1024xf32, #tpu.memory_space<hbm>>
    tpu.enqueue_indirect_dma source(%dma_start3A_6 : memref<1001x1024xf32, #tpu.memory_space<hbm>>) target(%arg6 : memref<16x1024xf32, #tpu.memory_space<vmem>>) offsets(%dma_start3A_3 : memref<16xi32, #tpu.memory_space<vmem>>) semaphore(%arg13 : memref<!tpu.dma_semaphore, #tpu.memory_space<semaphore_mem>>)
    %dma_start3A_7 = arith.constant 16 : i32
    %dma_start3A_8 = tpu.memref_slice %arg5[%dma_start3A_7] : memref<128xi32, #tpu.memory_space<vmem>> -> memref<16xi32, #tpu.memory_space<vmem>>
    %dma_start3A_9 = arith.constant 0 : i32
    %dma_start3A_10 = arith.constant 0 : i32
    %dma_start3A_11 = tpu.memref_slice %arg2[%dma_start3A_9, %dma_start3A_10] : memref<1001x1024xf32, #tpu.memory_space<hbm>> -> memref<1001x1024xf32, #tpu.memory_space<hbm>>
    tpu.enqueue_indirect_dma source(%dma_start3A_11 : memref<1001x1024xf32, #tpu.memory_space<hbm>>) target(%arg7 : memref<16x1024xf32, #tpu.memory_space<vmem>>) offsets(%dma_start3A_8 : memref<16xi32, #tpu.memory_space<vmem>>) semaphore(%arg13 : memref<!tpu.dma_semaphore, #tpu.memory_space<semaphore_mem>>)
    %dma_start3A_12 = arith.constant 32 : i32
    %dma_start3A_13 = tpu.memref_slice %arg5[%dma_start3A_12] : memref<128xi32, #tpu.memory_space<vmem>> -> memref<16xi32, #tpu.memory_space<vmem>>
    %dma_start3A_14 = arith.constant 0 : i32
    %dma_start3A_15 = arith.constant 0 : i32
    %dma_start3A_16 = tpu.memref_slice %arg2[%dma_start3A_14, %dma_start3A_15] : memref<1001x1024xf32, #tpu.memory_space<hbm>> -> memref<1001x1024xf32, #tpu.memory_space<hbm>>
    tpu.enqueue_indirect_dma source(%dma_start3A_16 : memref<1001x1024xf32, #tpu.memory_space<hbm>>) target(%arg8 : memref<16x1024xf32, #tpu.memory_space<vmem>>) offsets(%dma_start3A_13 : memref<16xi32, #tpu.memory_space<vmem>>) semaphore(%arg13 : memref<!tpu.dma_semaphore, #tpu.memory_space<semaphore_mem>>)
    %dma_start3A_17 = arith.constant 48 : i32
    %dma_start3A_18 = tpu.memref_slice %arg5[%dma_start3A_17] : memref<128xi32, #tpu.memory_space<vmem>> -> memref<16xi32, #tpu.memory_space<vmem>>
    %dma_start3A_19 = arith.constant 0 : i32
    %dma_start3A_20 = arith.constant 0 : i32
    %dma_start3A_21 = tpu.memref_slice %arg2[%dma_start3A_19, %dma_start3A_20] : memref<1001x1024xf32, #tpu.memory_space<hbm>> -> memref<1001x1024xf32, #tpu.memory_space<hbm>>
    tpu.enqueue_indirect_dma source(%dma_start3A_21 : memref<1001x1024xf32, #tpu.memory_space<hbm>>) target(%arg9 : memref<16x1024xf32, #tpu.memory_space<vmem>>) offsets(%dma_start3A_18 : memref<16xi32, #tpu.memory_space<vmem>>) semaphore(%arg13 : memref<!tpu.dma_semaphore, #tpu.memory_space<semaphore_mem>>)
    %dma_start3A_22 = arith.constant 64 : i32
    %dma_start3A_23 = tpu.memref_slice %arg5[%dma_start3A_22] : memref<128xi32, #tpu.memory_space<vmem>> -> memref<16xi32, #tpu.memory_space<vmem>>
    %dma_start3A_24 = arith.constant 0 : i32
    %dma_start3A_25 = arith.constant 0 : i32
    %dma_start3A_26 = tpu.memref_slice %arg2[%dma_start3A_24, %dma_start3A_25] : memref<1001x1024xf32, #tpu.memory_space<hbm>> -> memref<1001x1024xf32, #tpu.memory_space<hbm>>
    tpu.enqueue_indirect_dma source(%dma_start3A_26 : memref<1001x1024xf32, #tpu.memory_space<hbm>>) target(%arg10 : memref<16x1024xf32, #tpu.memory_space<vmem>>) offsets(%dma_start3A_23 : memref<16xi32, #tpu.memory_space<vmem>>) semaphore(%arg13 : memref<!tpu.dma_semaphore, #tpu.memory_space<semaphore_mem>>)
    %dma_start3A_27 = arith.constant 80 : i32
    %dma_start3A_28 = tpu.memref_slice %arg5[%dma_start3A_27] : memref<128xi32, #tpu.memory_space<vmem>> -> memref<16xi32, #tpu.memory_space<vmem>>
    %dma_start3A_29 = arith.constant 0 : i32
    %dma_start3A_30 = arith.constant 0 : i32
    %dma_start3A_31 = tpu.memref_slice %arg2[%dma_start3A_29, %dma_start3A_30] : memref<1001x1024xf32, #tpu.memory_space<hbm>> -> memref<1001x1024xf32, #tpu.memory_space<hbm>>
    tpu.enqueue_indirect_dma source(%dma_start3A_31 : memref<1001x1024xf32, #tpu.memory_space<hbm>>) target(%arg11 : memref<16x1024xf32, #tpu.memory_space<vmem>>) offsets(%dma_start3A_28 : memref<16xi32, #tpu.memory_space<vmem>>) semaphore(%arg13 : memref<!tpu.dma_semaphore, #tpu.memory_space<semaphore_mem>>)
    %dma_start3A_32 = arith.constant 96 : i32
    %dma_start3A_33 = tpu.memref_slice %arg5[%dma_start3A_32] : memref<128xi32, #tpu.memory_space<vmem>> -> memref<16xi32, #tpu.memory_space<vmem>>
    %dma_start3A_34 = arith.constant 0 : i32
    %dma_start3A_35 = arith.constant 0 : i32
    %dma_start3A_36 = tpu.memref_slice %arg2[%dma_start3A_34, %dma_start3A_35] : memref<1001x1024xf32, #tpu.memory_space<hbm>> -> memref<1001x1024xf32, #tpu.memory_space<hbm>>
    tpu.enqueue_indirect_dma source(%dma_start3A_36 : memref<1001x1024xf32, #tpu.memory_space<hbm>>) target(%arg12 : memref<16x1024xf32, #tpu.memory_space<vmem>>) offsets(%dma_start3A_33 : memref<16xi32, #tpu.memory_space<vmem>>) semaphore(%arg13 : memref<!tpu.dma_semaphore, #tpu.memory_space<semaphore_mem>>)
    %dma_wait3A = arith.constant 0 : i32
    %dma_wait3A_37 = tpu.memref_slice %arg5[%dma_wait3A] : memref<128xi32, #tpu.memory_space<vmem>> -> memref<16xi32, #tpu.memory_space<vmem>>
    %dma_wait3A_38 = arith.constant 0 : i32
    %dma_wait3A_39 = arith.constant 0 : i32
    %dma_wait3A_40 = tpu.memref_slice %arg2[%dma_wait3A_38, %dma_wait3A_39] : memref<1001x1024xf32, #tpu.memory_space<hbm>> -> memref<1001x1024xf32, #tpu.memory_space<hbm>>
    tpu.wait_indirect_dma semaphore(%arg13 : memref<!tpu.dma_semaphore, #tpu.memory_space<semaphore_mem>>) src(%dma_wait3A_40 : memref<1001x1024xf32, #tpu.memory_space<hbm>>) dst(%arg6 : memref<16x1024xf32, #tpu.memory_space<vmem>>)
    %add3A_41 = arith.constant 0 : i32
    %add3A_42 = arith.addi %mul3A_2, %add3A_41 : i32
    %dma_start3A_43 = arith.constant 0 : i32
    %dma_start3A_44 = tpu.memref_slice %arg4[%add3A_42, %dma_start3A_43] : memref<4096x1024xf32, #tpu.memory_space<hbm>> -> memref<16x1024xf32, #tpu.memory_space<hbm>>
    %dma_start3A_45 = arith.constant 0 : i32
    %dma_start3A_46 = tpu.memref_slice %arg4[%add3A_42, %dma_start3A_45] : memref<4096x1024xf32, #tpu.memory_space<hbm>> -> memref<16x1024xf32, #tpu.memory_space<hbm>>
    tpu.enqueue_dma source(%arg6 : memref<16x1024xf32, #tpu.memory_space<vmem>>) target(%dma_start3A_46 : memref<16x1024xf32, #tpu.memory_space<hbm>>) target_semaphore(%arg14 : memref<!tpu.dma_semaphore, #tpu.memory_space<semaphore_mem>>)
    %add3A_47 = arith.constant 0 : i32
    %add3A_48 = arith.addi %mul3A_2, %add3A_47 : i32
    %dma_wait3A_49 = arith.constant 0 : i32
    %dma_wait3A_50 = tpu.memref_slice %arg4[%add3A_48, %dma_wait3A_49] : memref<4096x1024xf32, #tpu.memory_space<hbm>> -> memref<16x1024xf32, #tpu.memory_space<hbm>>
    %dma_wait3A_51 = arith.constant 0 : i32
    %dma_wait3A_52 = tpu.memref_slice %arg4[%add3A_48, %dma_wait3A_51] : memref<4096x1024xf32, #tpu.memory_space<hbm>> -> memref<16x1024xf32, #tpu.memory_space<hbm>>
    tpu.wait_dma2 semaphore(%arg14 : memref<!tpu.dma_semaphore, #tpu.memory_space<semaphore_mem>>) src(%arg6 : memref<16x1024xf32, #tpu.memory_space<vmem>>) dst(%dma_wait3A_52 : memref<16x1024xf32, #tpu.memory_space<hbm>>)
    %dma_start3A_53 = arith.constant 112 : i32
    %dma_start3A_54 = tpu.memref_slice %arg5[%dma_start3A_53] : memref<128xi32, #tpu.memory_space<vmem>> -> memref<16xi32, #tpu.memory_space<vmem>>
    %dma_start3A_55 = arith.constant 0 : i32
    %dma_start3A_56 = arith.constant 0 : i32
    %dma_start3A_57 = tpu.memref_slice %arg2[%dma_start3A_55, %dma_start3A_56] : memref<1001x1024xf32, #tpu.memory_space<hbm>> -> memref<1001x1024xf32, #tpu.memory_space<hbm>>
    tpu.enqueue_indirect_dma source(%dma_start3A_57 : memref<1001x1024xf32, #tpu.memory_space<hbm>>) target(%arg6 : memref<16x1024xf32, #tpu.memory_space<vmem>>) offsets(%dma_start3A_54 : memref<16xi32, #tpu.memory_space<vmem>>) semaphore(%arg13 : memref<!tpu.dma_semaphore, #tpu.memory_space<semaphore_mem>>)
    %dma_wait3A_58 = arith.constant 16 : i32
    %dma_wait3A_59 = tpu.memref_slice %arg5[%dma_wait3A_58] : memref<128xi32, #tpu.memory_space<vmem>> -> memref<16xi32, #tpu.memory_space<vmem>>
    %dma_wait3A_60 = arith.constant 0 : i32
    %dma_wait3A_61 = arith.constant 0 : i32
    %dma_wait3A_62 = tpu.memref_slice %arg2[%dma_wait3A_60, %dma_wait3A_61] : memref<1001x1024xf32, #tpu.memory_space<hbm>> -> memref<1001x1024xf32, #tpu.memory_space<hbm>>
    tpu.wait_indirect_dma semaphore(%arg13 : memref<!tpu.dma_semaphore, #tpu.memory_space<semaphore_mem>>) src(%dma_wait3A_62 : memref<1001x1024xf32, #tpu.memory_space<hbm>>) dst(%arg7 : memref<16x1024xf32, #tpu.memory_space<vmem>>)
    %add3A_63 = arith.constant 16 : i32
    %add3A_64 = arith.addi %mul3A_2, %add3A_63 : i32
    %dma_start3A_65 = arith.constant 0 : i32
    %dma_start3A_66 = tpu.memref_slice %arg4[%add3A_64, %dma_start3A_65] : memref<4096x1024xf32, #tpu.memory_space<hbm>> -> memref<16x1024xf32, #tpu.memory_space<hbm>>
    %dma_start3A_67 = arith.constant 0 : i32
    %dma_start3A_68 = tpu.memref_slice %arg4[%add3A_64, %dma_start3A_67] : memref<4096x1024xf32, #tpu.memory_space<hbm>> -> memref<16x1024xf32, #tpu.memory_space<hbm>>
    tpu.enqueue_dma source(%arg7 : memref<16x1024xf32, #tpu.memory_space<vmem>>) target(%dma_start3A_68 : memref<16x1024xf32, #tpu.memory_space<hbm>>) target_semaphore(%arg14 : memref<!tpu.dma_semaphore, #tpu.memory_space<semaphore_mem>>)
    %dma_wait3A_69 = arith.constant 32 : i32
    %dma_wait3A_70 = tpu.memref_slice %arg5[%dma_wait3A_69] : memref<128xi32, #tpu.memory_space<vmem>> -> memref<16xi32, #tpu.memory_space<vmem>>
    %dma_wait3A_71 = arith.constant 0 : i32
    %dma_wait3A_72 = arith.constant 0 : i32
    %dma_wait3A_73 = tpu.memref_slice %arg2[%dma_wait3A_71, %dma_wait3A_72] : memref<1001x1024xf32, #tpu.memory_space<hbm>> -> memref<1001x1024xf32, #tpu.memory_space<hbm>>
    tpu.wait_indirect_dma semaphore(%arg13 : memref<!tpu.dma_semaphore, #tpu.memory_space<semaphore_mem>>) src(%dma_wait3A_73 : memref<1001x1024xf32, #tpu.memory_space<hbm>>) dst(%arg8 : memref<16x1024xf32, #tpu.memory_space<vmem>>)
    %add3A_74 = arith.constant 32 : i32
    %add3A_75 = arith.addi %mul3A_2, %add3A_74 : i32
    %dma_start3A_76 = arith.constant 0 : i32
    %dma_start3A_77 = tpu.memref_slice %arg4[%add3A_75, %dma_start3A_76] : memref<4096x1024xf32, #tpu.memory_space<hbm>> -> memref<16x1024xf32, #tpu.memory_space<hbm>>
    %dma_start3A_78 = arith.constant 0 : i32
    %dma_start3A_79 = tpu.memref_slice %arg4[%add3A_75, %dma_start3A_78] : memref<4096x1024xf32, #tpu.memory_space<hbm>> -> memref<16x1024xf32, #tpu.memory_space<hbm>>
    tpu.enqueue_dma source(%arg8 : memref<16x1024xf32, #tpu.memory_space<vmem>>) target(%dma_start3A_79 : memref<16x1024xf32, #tpu.memory_space<hbm>>) target_semaphore(%arg14 : memref<!tpu.dma_semaphore, #tpu.memory_space<semaphore_mem>>)
    %dma_wait3A_80 = arith.constant 48 : i32
    %dma_wait3A_81 = tpu.memref_slice %arg5[%dma_wait3A_80] : memref<128xi32, #tpu.memory_space<vmem>> -> memref<16xi32, #tpu.memory_space<vmem>>
    %dma_wait3A_82 = arith.constant 0 : i32
    %dma_wait3A_83 = arith.constant 0 : i32
    %dma_wait3A_84 = tpu.memref_slice %arg2[%dma_wait3A_82, %dma_wait3A_83] : memref<1001x1024xf32, #tpu.memory_space<hbm>> -> memref<1001x1024xf32, #tpu.memory_space<hbm>>
    tpu.wait_indirect_dma semaphore(%arg13 : memref<!tpu.dma_semaphore, #tpu.memory_space<semaphore_mem>>) src(%dma_wait3A_84 : memref<1001x1024xf32, #tpu.memory_space<hbm>>) dst(%arg9 : memref<16x1024xf32, #tpu.memory_space<vmem>>)
    %add3A_85 = arith.constant 48 : i32
    %add3A_86 = arith.addi %mul3A_2, %add3A_85 : i32
    %dma_start3A_87 = arith.constant 0 : i32
    %dma_start3A_88 = tpu.memref_slice %arg4[%add3A_86, %dma_start3A_87] : memref<4096x1024xf32, #tpu.memory_space<hbm>> -> memref<16x1024xf32, #tpu.memory_space<hbm>>
    %dma_start3A_89 = arith.constant 0 : i32
    %dma_start3A_90 = tpu.memref_slice %arg4[%add3A_86, %dma_start3A_89] : memref<4096x1024xf32, #tpu.memory_space<hbm>> -> memref<16x1024xf32, #tpu.memory_space<hbm>>
    tpu.enqueue_dma source(%arg9 : memref<16x1024xf32, #tpu.memory_space<vmem>>) target(%dma_start3A_90 : memref<16x1024xf32, #tpu.memory_space<hbm>>) target_semaphore(%arg14 : memref<!tpu.dma_semaphore, #tpu.memory_space<semaphore_mem>>)
    %dma_wait3A_91 = arith.constant 64 : i32
    %dma_wait3A_92 = tpu.memref_slice %arg5[%dma_wait3A_91] : memref<128xi32, #tpu.memory_space<vmem>> -> memref<16xi32, #tpu.memory_space<vmem>>
    %dma_wait3A_93 = arith.constant 0 : i32
    %dma_wait3A_94 = arith.constant 0 : i32
    %dma_wait3A_95 = tpu.memref_slice %arg2[%dma_wait3A_93, %dma_wait3A_94] : memref<1001x1024xf32, #tpu.memory_space<hbm>> -> memref<1001x1024xf32, #tpu.memory_space<hbm>>
    tpu.wait_indirect_dma semaphore(%arg13 : memref<!tpu.dma_semaphore, #tpu.memory_space<semaphore_mem>>) src(%dma_wait3A_95 : memref<1001x1024xf32, #tpu.memory_space<hbm>>) dst(%arg10 : memref<16x1024xf32, #tpu.memory_space<vmem>>)
    %add3A_96 = arith.constant 64 : i32
    %add3A_97 = arith.addi %mul3A_2, %add3A_96 : i32
    %dma_start3A_98 = arith.constant 0 : i32
    %dma_start3A_99 = tpu.memref_slice %arg4[%add3A_97, %dma_start3A_98] : memref<4096x1024xf32, #tpu.memory_space<hbm>> -> memref<16x1024xf32, #tpu.memory_space<hbm>>
    %dma_start3A_100 = arith.constant 0 : i32
    %dma_start3A_101 = tpu.memref_slice %arg4[%add3A_97, %dma_start3A_100] : memref<4096x1024xf32, #tpu.memory_space<hbm>> -> memref<16x1024xf32, #tpu.memory_space<hbm>>
    tpu.enqueue_dma source(%arg10 : memref<16x1024xf32, #tpu.memory_space<vmem>>) target(%dma_start3A_101 : memref<16x1024xf32, #tpu.memory_space<hbm>>) target_semaphore(%arg14 : memref<!tpu.dma_semaphore, #tpu.memory_space<semaphore_mem>>)
    %dma_wait3A_102 = arith.constant 80 : i32
    %dma_wait3A_103 = tpu.memref_slice %arg5[%dma_wait3A_102] : memref<128xi32, #tpu.memory_space<vmem>> -> memref<16xi32, #tpu.memory_space<vmem>>
    %dma_wait3A_104 = arith.constant 0 : i32
    %dma_wait3A_105 = arith.constant 0 : i32
    %dma_wait3A_106 = tpu.memref_slice %arg2[%dma_wait3A_104, %dma_wait3A_105] : memref<1001x1024xf32, #tpu.memory_space<hbm>> -> memref<1001x1024xf32, #tpu.memory_space<hbm>>
    tpu.wait_indirect_dma semaphore(%arg13 : memref<!tpu.dma_semaphore, #tpu.memory_space<semaphore_mem>>) src(%dma_wait3A_106 : memref<1001x1024xf32, #tpu.memory_space<hbm>>) dst(%arg11 : memref<16x1024xf32, #tpu.memory_space<vmem>>)
    %add3A_107 = arith.constant 80 : i32
    %add3A_108 = arith.addi %mul3A_2, %add3A_107 : i32
    %dma_start3A_109 = arith.constant 0 : i32
    %dma_start3A_110 = tpu.memref_slice %arg4[%add3A_108, %dma_start3A_109] : memref<4096x1024xf32, #tpu.memory_space<hbm>> -> memref<16x1024xf32, #tpu.memory_space<hbm>>
    %dma_start3A_111 = arith.constant 0 : i32
    %dma_start3A_112 = tpu.memref_slice %arg4[%add3A_108, %dma_start3A_111] : memref<4096x1024xf32, #tpu.memory_space<hbm>> -> memref<16x1024xf32, #tpu.memory_space<hbm>>
    tpu.enqueue_dma source(%arg11 : memref<16x1024xf32, #tpu.memory_space<vmem>>) target(%dma_start3A_112 : memref<16x1024xf32, #tpu.memory_space<hbm>>) target_semaphore(%arg14 : memref<!tpu.dma_semaphore, #tpu.memory_space<semaphore_mem>>)
    %dma_wait3A_113 = arith.constant 96 : i32
    %dma_wait3A_114 = tpu.memref_slice %arg5[%dma_wait3A_113] : memref<128xi32, #tpu.memory_space<vmem>> -> memref<16xi32, #tpu.memory_space<vmem>>
    %dma_wait3A_115 = arith.constant 0 : i32
    %dma_wait3A_116 = arith.constant 0 : i32
    %dma_wait3A_117 = tpu.memref_slice %arg2[%dma_wait3A_115, %dma_wait3A_116] : memref<1001x1024xf32, #tpu.memory_space<hbm>> -> memref<1001x1024xf32, #tpu.memory_space<hbm>>
    tpu.wait_indirect_dma semaphore(%arg13 : memref<!tpu.dma_semaphore, #tpu.memory_space<semaphore_mem>>) src(%dma_wait3A_117 : memref<1001x1024xf32, #tpu.memory_space<hbm>>) dst(%arg12 : memref<16x1024xf32, #tpu.memory_space<vmem>>)
    %add3A_118 = arith.constant 96 : i32
    %add3A_119 = arith.addi %mul3A_2, %add3A_118 : i32
    %dma_start3A_120 = arith.constant 0 : i32
    %dma_start3A_121 = tpu.memref_slice %arg4[%add3A_119, %dma_start3A_120] : memref<4096x1024xf32, #tpu.memory_space<hbm>> -> memref<16x1024xf32, #tpu.memory_space<hbm>>
    %dma_start3A_122 = arith.constant 0 : i32
    %dma_start3A_123 = tpu.memref_slice %arg4[%add3A_119, %dma_start3A_122] : memref<4096x1024xf32, #tpu.memory_space<hbm>> -> memref<16x1024xf32, #tpu.memory_space<hbm>>
    tpu.enqueue_dma source(%arg12 : memref<16x1024xf32, #tpu.memory_space<vmem>>) target(%dma_start3A_123 : memref<16x1024xf32, #tpu.memory_space<hbm>>) target_semaphore(%arg14 : memref<!tpu.dma_semaphore, #tpu.memory_space<semaphore_mem>>)
    %dma_wait3A_124 = arith.constant 112 : i32
    %dma_wait3A_125 = tpu.memref_slice %arg5[%dma_wait3A_124] : memref<128xi32, #tpu.memory_space<vmem>> -> memref<16xi32, #tpu.memory_space<vmem>>
    %dma_wait3A_126 = arith.constant 0 : i32
    %dma_wait3A_127 = arith.constant 0 : i32
    %dma_wait3A_128 = tpu.memref_slice %arg2[%dma_wait3A_126, %dma_wait3A_127] : memref<1001x1024xf32, #tpu.memory_space<hbm>> -> memref<1001x1024xf32, #tpu.memory_space<hbm>>
    tpu.wait_indirect_dma semaphore(%arg13 : memref<!tpu.dma_semaphore, #tpu.memory_space<semaphore_mem>>) src(%dma_wait3A_128 : memref<1001x1024xf32, #tpu.memory_space<hbm>>) dst(%arg6 : memref<16x1024xf32, #tpu.memory_space<vmem>>)
    %add3A_129 = arith.constant 112 : i32
    %add3A_130 = arith.addi %mul3A_2, %add3A_129 : i32
    %dma_start3A_131 = arith.constant 0 : i32
    %dma_start3A_132 = tpu.memref_slice %arg4[%add3A_130, %dma_start3A_131] : memref<4096x1024xf32, #tpu.memory_space<hbm>> -> memref<16x1024xf32, #tpu.memory_space<hbm>>
    %dma_start3A_133 = arith.constant 0 : i32
    %dma_start3A_134 = tpu.memref_slice %arg4[%add3A_130, %dma_start3A_133] : memref<4096x1024xf32, #tpu.memory_space<hbm>> -> memref<16x1024xf32, #tpu.memory_space<hbm>>
    tpu.enqueue_dma source(%arg6 : memref<16x1024xf32, #tpu.memory_space<vmem>>) target(%dma_start3A_134 : memref<16x1024xf32, #tpu.memory_space<hbm>>) target_semaphore(%arg14 : memref<!tpu.dma_semaphore, #tpu.memory_space<semaphore_mem>>)
    %add3A_135 = arith.constant 16 : i32
    %add3A_136 = arith.addi %mul3A_2, %add3A_135 : i32
    %dma_wait3A_137 = arith.constant 0 : i32
    %dma_wait3A_138 = tpu.memref_slice %arg4[%add3A_136, %dma_wait3A_137] : memref<4096x1024xf32, #tpu.memory_space<hbm>> -> memref<16x1024xf32, #tpu.memory_space<hbm>>
    %dma_wait3A_139 = arith.constant 0 : i32
    %dma_wait3A_140 = tpu.memref_slice %arg4[%add3A_136, %dma_wait3A_139] : memref<4096x1024xf32, #tpu.memory_space<hbm>> -> memref<16x1024xf32, #tpu.memory_space<hbm>>
    tpu.wait_dma2 semaphore(%arg14 : memref<!tpu.dma_semaphore, #tpu.memory_space<semaphore_mem>>) src(%arg7 : memref<16x1024xf32, #tpu.memory_space<vmem>>) dst(%dma_wait3A_140 : memref<16x1024xf32, #tpu.memory_space<hbm>>)
    %add3A_141 = arith.constant 32 : i32
    %add3A_142 = arith.addi %mul3A_2, %add3A_141 : i32
    %dma_wait3A_143 = arith.constant 0 : i32
    %dma_wait3A_144 = tpu.memref_slice %arg4[%add3A_142, %dma_wait3A_143] : memref<4096x1024xf32, #tpu.memory_space<hbm>> -> memref<16x1024xf32, #tpu.memory_space<hbm>>
    %dma_wait3A_145 = arith.constant 0 : i32
    %dma_wait3A_146 = tpu.memref_slice %arg4[%add3A_142, %dma_wait3A_145] : memref<4096x1024xf32, #tpu.memory_space<hbm>> -> memref<16x1024xf32, #tpu.memory_space<hbm>>
    tpu.wait_dma2 semaphore(%arg14 : memref<!tpu.dma_semaphore, #tpu.memory_space<semaphore_mem>>) src(%arg8 : memref<16x1024xf32, #tpu.memory_space<vmem>>) dst(%dma_wait3A_146 : memref<16x1024xf32, #tpu.memory_space<hbm>>)
    %add3A_147 = arith.constant 48 : i32
    %add3A_148 = arith.addi %mul3A_2, %add3A_147 : i32
    %dma_wait3A_149 = arith.constant 0 : i32
    %dma_wait3A_150 = tpu.memref_slice %arg4[%add3A_148, %dma_wait3A_149] : memref<4096x1024xf32, #tpu.memory_space<hbm>> -> memref<16x1024xf32, #tpu.memory_space<hbm>>
    %dma_wait3A_151 = arith.constant 0 : i32
    %dma_wait3A_152 = tpu.memref_slice %arg4[%add3A_148, %dma_wait3A_151] : memref<4096x1024xf32, #tpu.memory_space<hbm>> -> memref<16x1024xf32, #tpu.memory_space<hbm>>
    tpu.wait_dma2 semaphore(%arg14 : memref<!tpu.dma_semaphore, #tpu.memory_space<semaphore_mem>>) src(%arg9 : memref<16x1024xf32, #tpu.memory_space<vmem>>) dst(%dma_wait3A_152 : memref<16x1024xf32, #tpu.memory_space<hbm>>)
    %add3A_153 = arith.constant 64 : i32
    %add3A_154 = arith.addi %mul3A_2, %add3A_153 : i32
    %dma_wait3A_155 = arith.constant 0 : i32
    %dma_wait3A_156 = tpu.memref_slice %arg4[%add3A_154, %dma_wait3A_155] : memref<4096x1024xf32, #tpu.memory_space<hbm>> -> memref<16x1024xf32, #tpu.memory_space<hbm>>
    %dma_wait3A_157 = arith.constant 0 : i32
    %dma_wait3A_158 = tpu.memref_slice %arg4[%add3A_154, %dma_wait3A_157] : memref<4096x1024xf32, #tpu.memory_space<hbm>> -> memref<16x1024xf32, #tpu.memory_space<hbm>>
    tpu.wait_dma2 semaphore(%arg14 : memref<!tpu.dma_semaphore, #tpu.memory_space<semaphore_mem>>) src(%arg10 : memref<16x1024xf32, #tpu.memory_space<vmem>>) dst(%dma_wait3A_158 : memref<16x1024xf32, #tpu.memory_space<hbm>>)
    %add3A_159 = arith.constant 80 : i32
    %add3A_160 = arith.addi %mul3A_2, %add3A_159 : i32
    %dma_wait3A_161 = arith.constant 0 : i32
    %dma_wait3A_162 = tpu.memref_slice %arg4[%add3A_160, %dma_wait3A_161] : memref<4096x1024xf32, #tpu.memory_space<hbm>> -> memref<16x1024xf32, #tpu.memory_space<hbm>>
    %dma_wait3A_163 = arith.constant 0 : i32
    %dma_wait3A_164 = tpu.memref_slice %arg4[%add3A_160, %dma_wait3A_163] : memref<4096x1024xf32, #tpu.memory_space<hbm>> -> memref<16x1024xf32, #tpu.memory_space<hbm>>
    tpu.wait_dma2 semaphore(%arg14 : memref<!tpu.dma_semaphore, #tpu.memory_space<semaphore_mem>>) src(%arg11 : memref<16x1024xf32, #tpu.memory_space<vmem>>) dst(%dma_wait3A_164 : memref<16x1024xf32, #tpu.memory_space<hbm>>)
    %add3A_165 = arith.constant 96 : i32
    %add3A_166 = arith.addi %mul3A_2, %add3A_165 : i32
    %dma_wait3A_167 = arith.constant 0 : i32
    %dma_wait3A_168 = tpu.memref_slice %arg4[%add3A_166, %dma_wait3A_167] : memref<4096x1024xf32, #tpu.memory_space<hbm>> -> memref<16x1024xf32, #tpu.memory_space<hbm>>
    %dma_wait3A_169 = arith.constant 0 : i32
    %dma_wait3A_170 = tpu.memref_slice %arg4[%add3A_166, %dma_wait3A_169] : memref<4096x1024xf32, #tpu.memory_space<hbm>> -> memref<16x1024xf32, #tpu.memory_space<hbm>>
    tpu.wait_dma2 semaphore(%arg14 : memref<!tpu.dma_semaphore, #tpu.memory_space<semaphore_mem>>) src(%arg12 : memref<16x1024xf32, #tpu.memory_space<vmem>>) dst(%dma_wait3A_170 : memref<16x1024xf32, #tpu.memory_space<hbm>>)
    %add3A_171 = arith.constant 112 : i32
    %add3A_172 = arith.addi %mul3A_2, %add3A_171 : i32
    %dma_wait3A_173 = arith.constant 0 : i32
    %dma_wait3A_174 = tpu.memref_slice %arg4[%add3A_172, %dma_wait3A_173] : memref<4096x1024xf32, #tpu.memory_space<hbm>> -> memref<16x1024xf32, #tpu.memory_space<hbm>>
    %dma_wait3A_175 = arith.constant 0 : i32
    %dma_wait3A_176 = tpu.memref_slice %arg4[%add3A_172, %dma_wait3A_175] : memref<4096x1024xf32, #tpu.memory_space<hbm>> -> memref<16x1024xf32, #tpu.memory_space<hbm>>
    tpu.wait_dma2 semaphore(%arg14 : memref<!tpu.dma_semaphore, #tpu.memory_space<semaphore_mem>>) src(%arg6 : memref<16x1024xf32, #tpu.memory_space<vmem>>) dst(%dma_wait3A_176 : memref<16x1024xf32, #tpu.memory_space<hbm>>)
    return
  }
}

</mosaic_0001>

<sc_bundles>
// kernel: _embed_lookup.3.cloned.1.call-start
scs
__scs_entry_jumppad:
0x0: {  	(pc) =	sbr.rel $0x88, $3  }
0x1: {  	(tag) =	ssettag $0x0;
	lr =	simm.s32 $0x1  }
0x2: {  	[smem:$0x3F9F] =	sst lr;
	_ =	strace $0xD0000000  }
0x3: {  	_ = 	snop  }
0x4: {  	_ = 	snop  }
0x5: {  	_ = 	snop  }
0x6: {  	_ = 	snop  }
0x7: {  	_ = 	snop  }
__scs_overlays_trampoline_lowered:
0x8: {  	[smem:$0x3FAE] =	sst s0  }
0x9: {  	[smem:$0x3FAF] =	sst s1  }
0xa: {  	[smem:$0x3FB0] =	sst s2  }
0xb: {  	[smem:$0x3FB1] =	sst s3  }
0xc: {  	[smem:$0x3FB2] =	sst s4  }
0xd: {  	[smem:$0x3FB3] =	sst s5  }
0xe: {  	[smem:$0x3FB4] =	sst s6  }
0xf: {  	[smem:$0x3FB5] =	sst s7  }
0x10: {  	[smem:$0x3FB6] =	sst s8  }
0x11: {  	[smem:$0x3FB7] =	sst s9;
	s0 =	simm.s32 @!p0 $0x0  }
0x12: {  	s1 =	sld [smem:$0x3F9D];
	s0 =	simm.s32 @p0 $0x1  }
0x13: {  	[smem:$0x3FB8] =	sst s0;
	s0 =	simm.s32 @!p1 $0x0  }
0x14: {  	s2 =	sld [smem:$0x3F9C];
	s0 =	simm.s32 @p1 $0x1  }
0x15: {  	[smem:$0x3FB9] =	sst s0;
	s0 =	simm.s32 @!p2 $0x0  }
0x16: {  	s3 =	sld [smem:$0x3FDB];
	s0 =	simm.s32 @p2 $0x1  }
0x17: {  	s4 =	simm.s32 $0x1BF5;
	[smem:$0x3FBB] =	sst s0  }
0x18: {  	s0 =	sld [smem:$0x3F9E];
	_ =	swait.ge [sflag:s4], $0x0  }
0x19: {  	s7 =	sld [smem:$0x3F9F]  }
0x1a: {  	s8 =	sadd.s32 $0xFFFFE003, lr  }
0x1b: {  	s9 =	sadd.s32 $0xFFFFFEF7, lr;
	s5 =	simm.s32 $0xFFFFFFFF;
	p2 =	slt.u32 s8, $0xFFFFF086  }
0x1c: {  	p1 =	slt.u32 s9, $0xF7A;
	s5 =	simm.s32 @!p2 $0x0  }
0x1d: {  	s5 =	simm.s32 @p1 $0x1;
	p0 =	seq.s32 s7, s2  }
0x1e: {  	s7 =	smul.u32 @!p0 $0xF7A, s2;
	p2 =	seq.s32 @!p0 s5, $0x0  }
0x1f: {  	s9 =	smul.u32 $0xF7A, s1;
	s8 =	simm.s32 @!p0 $0x1BF5;
	p2 =	por !p2, p0  }
0x20: {  	[sflag:s8] =	ssyncset.s32 @!p0 $0xFFFFF086;
	s6 =	sadd.s32 @!p0 s3, s7;
	s7 =	simm.s32 @!p0 $0x108  }
0x21: {  	s3 =	sadd.s32 s3, s9;
	s6 =	sadd.s32 @!p0 $0x88, s6;
	s7 =	simm.s32 @p2 $0x1082  }
0x22: {  	[simem:s7], [sflag:s8] =	dma.local @!p0 [hbm:s6], $0xF7A  }
0x23: {  	s9 =	sor.u32 $0xD0000000, s2;
	s6 =	simm.s32 $0x108;
	_ =	swait.ge @!p0 [sflag:s8], $0x0  }
0x24: {  	s3 =	sadd.s32 $0x88, s3;
	s6 =	simm.s32 @!p1 $0x1082;
	[sflag:s4] =	ssyncset.s32 $0xFFFFF086  }
0x25: {  	[simem:s6], [sflag:s4] =	dma.local [hbm:s3], $0xF7A  }
0x26: {  	[smem:$0x3F9F] =	sst s1;
	(tag) =	ssettag s2;
	_ =	strace s9  }
0x27: {  	s1 =	sld [smem:$0x3FAF]  }
0x28: {  	s2 =	sld [smem:$0x3FB0]  }
0x29: {  	s4 =	sld [smem:$0x3FB2]  }
0x2a: {  	p0 =	seq.s32 s5, $0x0;
	s5 =	sld [smem:$0x3FB3]  }
0x2b: {  	s6 =	sld [smem:$0x3FB4]  }
0x2c: {  	s7 =	sld [smem:$0x3FB5]  }
0x2d: {  	s3 =	simm.s32 $0x108;
	s8 =	sld [smem:$0x3FB6]  }
0x2e: {  	s3 =	simm.s32 @!p0 $0x1082;
	s9 =	sld [smem:$0x3FB7]  }
0x2f: {  	lr =	sadd.s32 s0, s3;
	s0 =	sld [smem:$0x3FAE]  }
0x30: {  	s3 =	sld [smem:$0x3FB1]  }
0x31: {  	[smem:$0x3FBA] =	sst s10  }
0x32: {  	s10 =	sld [smem:$0x3FB8];
	_ =	sdelay $0x3  }
0x33: {  	p0 =	seq.s32 s10, $0x1;
	s10 =	sld [smem:$0x3FBA];
	_ =	sdelay $0x3  }
0x34: {  	[smem:$0x3FBA] =	sst s10  }
0x35: {  	s10 =	sld [smem:$0x3FB9];
	_ =	sdelay $0x3  }
0x36: {  	p1 =	seq.s32 s10, $0x1;
	s10 =	sld [smem:$0x3FBA];
	_ =	sdelay $0x3  }
0x37: {  	[smem:$0x3FBA] =	sst s10  }
0x38: {  	s10 =	sld [smem:$0x3FBB]  }
0x39: {  	_ = 	snop;
	(pc) =	sbr.ind lr, $3  }
0x3a: {  	_ = 	snop  }
0x3b: {  	_ = 	snop  }
0x3c: {  	p2 =	seq.s32 s10, $0x1;
	s10 =	sld [smem:$0x3FBA]  }
0x3d: {  	_ =	shalt  }
0x3e: {  	_ =	shalt  }
0x3f: {  	_ =	shalt  }
0x40: {  	_ =	shalt  }
0x41: {  	_ =	shalt  }
0x42: {  	_ =	shalt  }
0x43: {  	_ =	shalt  }
0x44: {  	_ =	shalt  }
0x45: {  	_ =	shalt  }
0x46: {  	_ =	shalt  }
0x47: {  	_ =	shalt  }
0x48: {  	_ =	shalt  }
0x49: {  	_ =	shalt  }
0x4a: {  	_ =	shalt  }
0x4b: {  	_ =	shalt  }
0x4c: {  	_ =	shalt  }
0x4d: {  	_ =	shalt  }
0x4e: {  	_ =	shalt  }
0x4f: {  	_ =	shalt  }
0x50: {  	_ =	shalt  }
0x51: {  	_ =	shalt  }
0x52: {  	_ =	shalt  }
0x53: {  	_ =	shalt  }
0x54: {  	_ =	shalt  }
0x55: {  	_ =	shalt  }
0x56: {  	_ =	shalt  }
0x57: {  	_ =	shalt  }
0x58: {  	_ =	shalt  }
0x59: {  	_ =	shalt  }
0x5a: {  	_ =	shalt  }
0x5b: {  	_ =	shalt  }
0x5c: {  	_ =	shalt  }
0x5d: {  	_ =	shalt  }
0x5e: {  	_ =	shalt  }
0x5f: {  	_ =	shalt  }
0x60: {  	_ =	shalt  }
0x61: {  	_ =	shalt  }
0x62: {  	_ =	shalt  }
0x63: {  	_ =	shalt  }
0x64: {  	_ =	shalt  }
0x65: {  	_ =	shalt  }
0x66: {  	_ =	shalt  }
0x67: {  	_ =	shalt  }
0x68: {  	_ =	shalt  }
0x69: {  	_ =	shalt  }
0x6a: {  	_ =	shalt  }
0x6b: {  	_ =	shalt  }
0x6c: {  	_ =	shalt  }
0x6d: {  	_ =	shalt  }
0x6e: {  	_ =	shalt  }
0x6f: {  	_ =	shalt  }
0x70: {  	_ =	shalt  }
0x71: {  	_ =	shalt  }
0x72: {  	_ =	shalt  }
0x73: {  	_ =	shalt  }
0x74: {  	_ =	shalt  }
0x75: {  	_ =	shalt  }
0x76: {  	_ =	shalt  }
0x77: {  	_ =	shalt  }
0x78: {  	_ =	shalt  }
0x79: {  	_ =	shalt  }
0x7a: {  	_ =	shalt  }
0x7b: {  	_ =	shalt  }
0x7c: {  	_ =	shalt  }
0x7d: {  	_ =	shalt  }
0x7e: {  	_ =	shalt  }
0x7f: {  	_ =	shalt  }
0x80: {  	_ =	shalt  }
0x81: {  	_ =	shalt  }
0x82: {  	_ =	shalt  }
0x83: {  	_ =	shalt  }
0x84: {  	_ =	shalt  }
0x85: {  	_ =	shalt  }
0x86: {  	_ =	shalt  }
0x87: {  	_ =	shalt  }
.Lfunc_end0:
.L_simem_size_0:
called_computation_lowered:
.L_overlay_start_0:
0x88: {  	s2 =	sld [smem:$0x3FD9]  }
0x89: {  	s3 =	sld [smem:$0x3FFE];
	_ =	sdelay $0x1  }
0x8a: {  	s1 =	srdreg.scid  }
0x8b: {  	s0 =	sand.u32 $0x1, s1  }
0x8c: {  	s18 =	sshll.u32 s0, $0xA;
	s2 =	sadd.s32 s3, s2  }
0x8d: {  	s2 =	sadd.s32 s2, s18  }
0x8e: {  	[smem:$0x3FC6] =	sst s2  }
0x8f: {  	_ = 	snop  }
0x90: {  	s2 =	sld [smem:$0x3FC9]  }
0x91: {  	s19 =	sld [smem:$0x3FC8]  }
0x92: {  	s4 =	sld [smem:$0x3FD0];
	(tm) =	ssettm $0x1  }
0x93: {  	s5 =	sld [smem:$0x3FFB];
	_ =	sdelay $0x3  }
0x94: {  	_ =	strace s5  }
0x95: {  	s5 =	sld [smem:$0x3FFC];
	_ =	sdelay $0x3  }
0x96: {  	_ =	strace s5  }
0x97: {  	s5 =	sld [smem:$0x3FFD];
	_ =	sdelay $0x3  }
0x98: {  	_ =	strace s5  }
0x99: {  	_ =	strace $0x8FFFFFFF  }
0x9a: {  	s20 =	sld [smem:$0x3FDB];
	_ =	sdelay $0x1  }
0x9b: {  	s6 =	simm.s32 $_scs_section_size  }
0x9c: {  	s7 =	simm.s32 $_size__tile_overlayer_lowered;
	s8 =	simm.s32 $_tile_overlayer_lowered  }
0x9d: {  	s23 =	simm.s32 $0x1BFF;
	s22 =	sshll.u32 s8, $0x1;
	s5 =	sadd.s32 s6, s20  }
0x9e: {  	s9 =	simm.s32 $0x0;
	s21 =	sshll.u32 s7, $0x1;
	s7 =	sadd.s32 s22, s5  }
0x9f: {  	[timem:s9], [sflag:s23] =	dma.local [hbm:s7], s21  }
0xa0: {  	_ =	swait.ge [sflag:s23], s21  }
0xa1: {  	s6 =	ssub.s32 $0x0, s21;
	[sflag:s23] =	ssyncset.done $0x0  }
0xa2: {  	[sflag:s23] =	ssyncadd.s32 s6;
	_ =	sdelay $0x1  }
0xa3: {  	s24 =	simm.s32 $0x1B8B  }
0xa4: {  	_ =	swait.ge [sflag:s24], $0x1  }
0xa5: {  	[sflag:s24] =	ssyncset.done $0x0  }
0xa6: {  	s25 =	simm.s32 $0x1B8E;
	[sflag:s24] =	ssyncadd.s32 $0xFFFFFFFF  }
0xa7: {  	s26 =	simm.s32 $execute0_lowered;
	[smem:$0x3FD2] =	sst s25  }
0xa8: {  	s6 =	sshll.u32 s26, $0x1;
	_ =	strace $0x80000046;
	[dreg:$0x1] =	wrdreg $0xFFFFFFFF  }
0xa9: {  	s28 =	simm.s32 $_size_execute0_lowered;
	s5 =	sadd.s32 s5, s6;
	[dreg:$0x0] =	wrdreg $0x0  }
0xaa: {  	s6 =	sshll.u32 s28, $0x1;
	[dreg:$0x2] =	wrdreg s5  }
0xab: {  	[dreg:$0x3] =	wrdreg s6  }
0xac: {  	[dreg:$0x4] =	wrdreg $0xC0  }
0xad: {  	_ =	task [dreg:s9], $0x5FFFF  }
0xae: {  	[dreg:$0x1] =	wrdreg $0xFFFFFFFF  }
0xaf: {  	[dreg:$0x0] =	wrdreg $0x60  }
0xb0: {  	[dreg:$0x2] =	wrdreg s19  }
0xb1: {  	[dreg:$0x3] =	wrdreg s2  }
0xb2: {  	[dreg:$0x4] =	wrdreg s4  }
0xb3: {  	[dreg:$0x5] =	wrdreg $0x9  }
0xb4: {  	_ =	task.clear_ibuf [dreg:s9], $0x6FFFF;
	_ =	strace $0x90000046  }
0xb5: {  	s29 =	simm.s32 $0x9;
	_ =	strace $0x80000048  }
0xb6: {  	_ =	swait.ge [sflag:s29], $0x1  }
0xb7: {  	[sflag:s29] =	ssyncadd.s32 $0xFFFFFFFF  }
0xb8: {  	_ =	strace $0x90000048  }
0xb9: {  	_ =	sfence  }
0xba: {  	s30 =	sld [smem:$0x0];
	_ =	sdelay $0x2  }
0xbb: {  	s31 =	sshll.u32 s1, $0xD;
	s1 =	sshrl.u32 s1, $0x2  }
0xbc: {  	s3 =	sand.u32 $0x4000, s31;
	s1 =	sadd.s32 s1, s30  }
0xbd: {  	s0 =	sor.u32 s3, s0;
	s1 =	sshll.u32 s1, $0x11  }
0xbe: {  	s0 =	sor.u32 s1, s0  }
0xbf: {  	s0 =	sadd.s32 $0x8F2B, s0  }
0xc0: {  	[sflag:s0] =	ssyncadd.remote.s32 $0x1  }
0xc1: {  	_ =	sfence.sel $0xFFFF  }
0xc2: {  	[dreg:$0x0] =	wrdreg $0xFFFFFFFF;
	(pc) =	sbr.abs _section_cstart, $3  }
0xc3: {  	[dreg:$0x1] =	wrdreg $0xFFFFFFFF  }
0xc4: {  	_ =	task.clear_ibuf [dreg:s9], $0x2FFFF;
	_ =	strace $0x9FFFFFFF  }
0xc5: {  	(tm) =	ssettm $0x7FFFFFFF  }
tec
execute0_lowered:
.L_overlay_start_1:
0x0: {  	(tag) =	ssettag $0x1  }
0x1: {  	s1 =	rddreg [dreg:$0x0]  }
0x2: {  	s4 =	rddreg [dreg:$0x1]  }
0x3: {  	s5 =	rddreg [dreg:$0x2];
	s3 =	simm.s32 $0x0  }
0x4: {  	s14 =	simm.s32 $0x4880;
	[smem:$0x7FF] =	sst s3  }
0x5: {  	s15 =	simm.s32 $0x5080;
	_ =	strace $0x80000047;
	[dreg:$0xc] =	wrdreg s14  }
0x6: {  	s16 =	simm.s32 $0x5880;
	[dreg:$0xd] =	wrdreg s15  }
0x7: {  	s17 =	simm.s32 $0x6080;
	[dreg:$0xe] =	wrdreg s16  }
0x8: {  	s18 =	simm.s32 $0x6880;
	[dreg:$0xf] =	wrdreg s17  }
0x9: {  	s19 =	simm.s32 $0x7080;
	[dreg:$0x10] =	wrdreg s18  }
0xa: {  	s20 =	simm.s32 $0x7880;
	[dreg:$0x11] =	wrdreg s19  }
0xb: {  	s21 =	simm.s32 $0x8880;
	[dreg:$0x12] =	wrdreg s20  }
0xc: {  	s2 =	srdreg.scid;
	s22 =	simm.s32 $0x9080;
	[dreg:$0x13] =	wrdreg s21  }
0xd: {  	s0 =	stileid.u32;
	s23 =	simm.s32 $0x9880;
	[dreg:$0x14] =	wrdreg s22  }
0xe: {  	s24 =	simm.s32 $0xA080;
	s25 =	simm.s32 $0xA880;
	[dreg:$0x15] =	wrdreg s23  }
0xf: {  	s26 =	simm.s32 $0xB080;
	s28 =	simm.s32 $0x1A880;
	[dreg:$0x16] =	wrdreg s24  }
0x10: {  	s29 =	simm.s32 $0x1B080;
	s30 =	simm.s32 $0x1B880;
	[dreg:$0x17] =	wrdreg s25  }
0x11: {  	s6 =	sshll.u32 s0, $0x8;
	s0 =	simm.s32 $0xB880;
	[dreg:$0x18] =	wrdreg s26  }
0x12: {  	s31 =	simm.s32 $0x1;
	[dreg:$0x19] =	wrdreg s0;
	s14 =	simm.s32 $0x11880  }
0x13: {  	s2 =	sand.u32 $0x1, s2;
	s15 =	simm.s32 $0x12080;
	[smem:$0x7F1] =	sst s14  }
0x14: {  	s7 =	sshll.u32 s2, $0x7;
	s16 =	simm.s32 $0x12880;
	[smem:$0x7F2] =	sst s15  }
0x15: {  	s2 =	ssub.s32 $0x2, s2;
	s17 =	simm.s32 $0x13080;
	[smem:$0x7F3] =	sst s16  }
0x16: {  	s18 =	simm.s32 $0x13880;
	s19 =	simm.s32 $0x14880;
	[smem:$0x7F4] =	sst s17  }
0x17: {  	s20 =	simm.s32 $0x15080;
	s21 =	simm.s32 $0x15880;
	[smem:$0x7F5] =	sst s18  }
0x18: {  	s22 =	simm.s32 $0x16080;
	s23 =	simm.s32 $0x16880;
	[smem:$0x7F6] =	sst s19  }
0x19: {  	s24 =	simm.s32 $0x17080;
	s25 =	simm.s32 $0x17880;
	[smem:$0x7F7] =	sst s20  }
0x1a: {  	s26 =	simm.s32 $0x18880;
	s6 =	sor.u32 s7, s6;
	[smem:$0x7F8] =	sst s21  }
0x1b: {  	s14 =	simm.s32 $0x2080;
	s15 =	simm.s32 $0x2880;
	[smem:$0x7F9] =	sst s22  }
0x1c: {  	s16 =	simm.s32 $0x3080;
	s17 =	simm.s32 $0x3880;
	[smem:$0x7FA] =	sst s23  }
0x1d: {  	s18 =	simm.s32 $0x4080;
	s19 =	simm.s32 $0x8080;
	[smem:$0x7FB] =	sst s24  }
0x1e: {  	s20 =	simm.s32 $0xC080;
	[smem:$0x7FC] =	sst s25;
	s7 =	sshrl.u32 s6, $0x3  }
0x1f: {  	[smem:$0x7FD] =	sst s26;
	s6 =	sshll.u32 s6, $0x7;
	s7 =	sadd.s32 s4, s7  }
0x20: {  	s4 =	sadd.s32 s5, s6;
	s6 =	simm.s32 $0xC880;
	[dreg:$0x4] =	wrdreg s7  }
0x21: {  	s21 =	simm.s32 $0x10080;
	s5 =	sadd.s32 $0x800, s4;
	[dreg:$0x1a] =	wrdreg s6  }
0x22: {  	s22 =	simm.s32 $0x14080;
	s8 =	sadd.s32 $0x1000, s4;
	[dreg:$0x5] =	wrdreg s5  }
0x23: {  	s23 =	simm.s32 $0x18080;
	s9 =	sadd.s32 $0x1800, s4;
	[dreg:$0x6] =	wrdreg s8  }
0x24: {  	s25 =	simm.s32 $0x19880;
	s10 =	sadd.s32 $0x2000, s4;
	[dreg:$0x7] =	wrdreg s9  }
0x25: {  	s26 =	simm.s32 $0x1A080;
	s11 =	sadd.s32 $0x2800, s4;
	[dreg:$0x8] =	wrdreg s10  }
0x26: {  	s12 =	sadd.s32 $0x3000, s4;
	s13 =	sadd.s32 $0x3800, s4;
	[dreg:$0x9] =	wrdreg s11  }
0x27: {  	s7 =	sshrl.u32 s2, $0x1;
	s6 =	sadd.s32 $0x200, s1;
	[dreg:$0xa] =	wrdreg s12  }
0x28: {  	[dreg:$0xb] =	wrdreg s13;
	s8 =	simm.s32 $0xD080;
	s2 =	ssub.s32 s2, s7  }
0x29: {  	s9 =	simm.s32 $0xD880;
	s5 =	sadd.s32 $0x100, s1;
	[dreg:$0x1b] =	wrdreg s8  }
0x2a: {  	s10 =	simm.s32 $0xE080;
	s7 =	sadd.s32 $0x300, s1;
	[dreg:$0x1c] =	wrdreg s9  }
0x2b: {  	s11 =	simm.s32 $0xF880;
	s12 =	simm.s32 $0x10880;
	[dreg:$0x1d] =	wrdreg s10  }
0x2c: {  	s13 =	simm.s32 $0x11080;
	s8 =	simm.s32 $0xE880;
	[smem:$0x7EE] =	sst s11  }
0x2d: {  	s9 =	simm.s32 $0xF080;
	s10 =	simm.s32 $0x80;
	[smem:$0x7EF] =	sst s12  }
0x2e: {  	v2 =	vlaneseq.u32;
	s11 =	simm.s32 $0x880;
	[smem:$0x7F0] =	sst s13;
	s12 =	simm.s32 $0x1080  }
0x2f: {  	vm0 =	vmmov $0xffff;
	v1 =	vshrl.u32 v2, $0x3;
	s13 =	simm.s32 $0x1880;
	[dreg:$0x1e] =	wrdreg s8;
	s8 =	smax.u32 s2, $0x1  }
0x30: {  	v0 =	vand.u32 $0x7, v2;
	v2 =	vor.u32 $0x8, v2;
	v1 =	vmul.u32 $0x8, v1;
	[dreg:$0x1f] =	wrdreg s9;
	s9 =	simm.s32 $0x3;
	s2 =	simm.s32 $0x2  }
.LBB2_1:
0x31: {  	s0 =	rddreg [dreg:$0x4]  }
0x32: {  	[tilespmem:s3], [sflag:$0x3] =	stream.linear.gather [hbm4b:s0+s3], $0x80, $0x38;
	[tilespmem:$0x1C080] =	vst v63  }
0x33: {  	_ =	swait.ge [sflag:s9], $0x80  }
0x34: {  	[sflag:s9] =	ssyncset.done $0x0  }
0x35: {  	[sflag:s9] =	ssyncadd.s32 $0xFFFFFF80  }
0x36: {  	v3 =	vld [tilespmem:$0x0];
	_ =	sdelay $0x4  }
0x37: {  	v4 =	vshll.u32 v3, $0x3  }
0x38: {  	v3 =	vand.u32 $0x7, v3;
	v4 =	vand.u32 $0xFFFFFFC0, v4  }
0x39: {  	v3 =	vor.u32 v3, v4  }
0x3a: {  	v4 =	vperm.xlane v3, v0;
	_ =	sdelay $0x1  }
0x3b: {  	v4 =	vadd.s32 v1, v4;
	_ =	sdelay $0x4  }
0x3c: {  	[tilespmem:s10], [sflag:$0x1] =	stream.indirect_vreg.gather [hbm4b:s1+s3], $0x80, v4, vm0, $0xb8;
	[tilespmem:$0x1C080] =	vst v63  }
0x3d: {  	v3 =	vperm.xlane v3, v2  }
0x3e: {  	[tilespmem:s11], [sflag:$0x1] =	stream.indirect_vreg.gather [hbm4b:s5+s3], $0x80, v4, vm0, $0xb8;
	[tilespmem:$0x1C080] =	vst v63  }
0x3f: {  	v3 =	vadd.s32 v1, v3  }
0x40: {  	[tilespmem:s12], [sflag:$0x1] =	stream.indirect_vreg.gather [hbm4b:s6+s3], $0x80, v4, vm0, $0xb8;
	[tilespmem:$0x1C080] =	vst v63  }
0x41: {  	_ = 	snop  }
0x42: {  	[tilespmem:s13], [sflag:$0x1] =	stream.indirect_vreg.gather [hbm4b:s7+s3], $0x80, v4, vm0, $0xb8;
	[tilespmem:$0x1C080] =	vst v63  }
0x43: {  	_ = 	snop  }
0x44: {  	[tilespmem:s14], [sflag:$0x1] =	stream.indirect_vreg.gather [hbm4b:s1+s3], $0x80, v3, vm0, $0xb8;
	[tilespmem:$0x1C080] =	vst v63  }
0x45: {  	_ = 	snop  }
0x46: {  	[tilespmem:s15], [sflag:$0x1] =	stream.indirect_vreg.gather [hbm4b:s5+s3], $0x80, v3, vm0, $0xb8;
	[tilespmem:$0x1C080] =	vst v63  }
0x47: {  	_ = 	snop  }
0x48: {  	[tilespmem:s16], [sflag:$0x1] =	stream.indirect_vreg.gather [hbm4b:s6+s3], $0x80, v3, vm0, $0xb8;
	[tilespmem:$0x1C080] =	vst v63  }
0x49: {  	_ = 	snop  }
0x4a: {  	[tilespmem:s17], [sflag:$0x1] =	stream.indirect_vreg.gather [hbm4b:s7+s3], $0x80, v3, vm0, $0xb8;
	[tilespmem:$0x1C080] =	vst v63  }
0x4b: {  	v3 =	vld [tilespmem:$0x10];
	_ =	sdelay $0x4  }
0x4c: {  	v57 =	vshll.u32 v3, $0x3  }
0x4d: {  	v3 =	vand.u32 $0x7, v3;
	v4 =	vand.u32 $0xFFFFFFC0, v57  }
0x4e: {  	v3 =	vor.u32 v3, v4  }
0x4f: {  	v4 =	vperm.xlane v3, v0;
	_ =	sdelay $0x1  }
0x50: {  	v4 =	vadd.s32 v1, v4;
	_ =	sdelay $0x4  }
0x51: {  	[tilespmem:s18], [sflag:$0x1] =	stream.indirect_vreg.gather [hbm4b:s1+s3], $0x80, v4, vm0, $0xb8;
	[tilespmem:$0x1C080] =	vst v63  }
0x52: {  	s0 =	rddreg [dreg:$0xc];
	v3 =	vperm.xlane v3, v2  }
0x53: {  	[tilespmem:s0], [sflag:$0x1] =	stream.indirect_vreg.gather [hbm4b:s5+s3], $0x80, v4, vm0, $0xb8;
	[tilespmem:$0x1C080] =	vst v63  }
0x54: {  	s24 =	rddreg [dreg:$0xd];
	v3 =	vadd.s32 v1, v3  }
0x55: {  	[tilespmem:s24], [sflag:$0x1] =	stream.indirect_vreg.gather [hbm4b:s6+s3], $0x80, v4, vm0, $0xb8;
	[tilespmem:$0x1C080] =	vst v63  }
0x56: {  	s0 =	rddreg [dreg:$0xe]  }
0x57: {  	[tilespmem:s0], [sflag:$0x1] =	stream.indirect_vreg.gather [hbm4b:s7+s3], $0x80, v4, vm0, $0xb8;
	[tilespmem:$0x1C080] =	vst v63  }
0x58: {  	s24 =	rddreg [dreg:$0xf]  }
0x59: {  	[tilespmem:s24], [sflag:$0x1] =	stream.indirect_vreg.gather [hbm4b:s1+s3], $0x80, v3, vm0, $0xb8;
	[tilespmem:$0x1C080] =	vst v63  }
0x5a: {  	s0 =	rddreg [dreg:$0x10]  }
0x5b: {  	[tilespmem:s0], [sflag:$0x1] =	stream.indirect_vreg.gather [hbm4b:s5+s3], $0x80, v3, vm0, $0xb8;
	[tilespmem:$0x1C080] =	vst v63  }
0x5c: {  	s24 =	rddreg [dreg:$0x11]  }
0x5d: {  	[tilespmem:s24], [sflag:$0x1] =	stream.indirect_vreg.gather [hbm4b:s6+s3], $0x80, v3, vm0, $0xb8;
	[tilespmem:$0x1C080] =	vst v63  }
0x5e: {  	s0 =	rddreg [dreg:$0x12]  }
0x5f: {  	[tilespmem:s0], [sflag:$0x1] =	stream.indirect_vreg.gather [hbm4b:s7+s3], $0x80, v3, vm0, $0xb8;
	[tilespmem:$0x1C080] =	vst v63  }
0x60: {  	v3 =	vld [tilespmem:$0x20];
	_ =	sdelay $0x4  }
0x61: {  	v58 =	vshll.u32 v3, $0x3  }
0x62: {  	v3 =	vand.u32 $0x7, v3;
	v4 =	vand.u32 $0xFFFFFFC0, v58  }
0x63: {  	v3 =	vor.u32 v3, v4  }
0x64: {  	v4 =	vperm.xlane v3, v0;
	_ =	sdelay $0x1  }
0x65: {  	v4 =	vadd.s32 v1, v4;
	_ =	sdelay $0x4  }
0x66: {  	[tilespmem:s19], [sflag:$0x1] =	stream.indirect_vreg.gather [hbm4b:s1+s3], $0x80, v4, vm0, $0xb8;
	[tilespmem:$0x1C080] =	vst v63  }
0x67: {  	s0 =	rddreg [dreg:$0x13];
	v3 =	vperm.xlane v3, v2  }
0x68: {  	[tilespmem:s0], [sflag:$0x1] =	stream.indirect_vreg.gather [hbm4b:s5+s3], $0x80, v4, vm0, $0xb8;
	[tilespmem:$0x1C080] =	vst v63  }
0x69: {  	s24 =	rddreg [dreg:$0x14];
	v3 =	vadd.s32 v1, v3  }
0x6a: {  	[tilespmem:s24], [sflag:$0x1] =	stream.indirect_vreg.gather [hbm4b:s6+s3], $0x80, v4, vm0, $0xb8;
	[tilespmem:$0x1C080] =	vst v63  }
0x6b: {  	s0 =	rddreg [dreg:$0x15]  }
0x6c: {  	[tilespmem:s0], [sflag:$0x1] =	stream.indirect_vreg.gather [hbm4b:s7+s3], $0x80, v4, vm0, $0xb8;
	[tilespmem:$0x1C080] =	vst v63  }
0x6d: {  	s24 =	rddreg [dreg:$0x16]  }
0x6e: {  	[tilespmem:s24], [sflag:$0x1] =	stream.indirect_vreg.gather [hbm4b:s1+s3], $0x80, v3, vm0, $0xb8;
	[tilespmem:$0x1C080] =	vst v63  }
0x6f: {  	s0 =	rddreg [dreg:$0x17]  }
0x70: {  	[tilespmem:s0], [sflag:$0x1] =	stream.indirect_vreg.gather [hbm4b:s5+s3], $0x80, v3, vm0, $0xb8;
	[tilespmem:$0x1C080] =	vst v63  }
0x71: {  	s24 =	rddreg [dreg:$0x18]  }
0x72: {  	[tilespmem:s24], [sflag:$0x1] =	stream.indirect_vreg.gather [hbm4b:s6+s3], $0x80, v3, vm0, $0xb8;
	[tilespmem:$0x1C080] =	vst v63  }
0x73: {  	s0 =	rddreg [dreg:$0x19]  }
0x74: {  	[tilespmem:s0], [sflag:$0x1] =	stream.indirect_vreg.gather [hbm4b:s7+s3], $0x80, v3, vm0, $0xb8;
	[tilespmem:$0x1C080] =	vst v63  }
0x75: {  	v3 =	vld [tilespmem:$0x30];
	_ =	sdelay $0x4  }
0x76: {  	v59 =	vshll.u32 v3, $0x3  }
0x77: {  	v3 =	vand.u32 $0x7, v3;
	v4 =	vand.u32 $0xFFFFFFC0, v59  }
0x78: {  	v3 =	vor.u32 v3, v4  }
0x79: {  	v4 =	vperm.xlane v3, v0;
	_ =	sdelay $0x1  }
0x7a: {  	v4 =	vadd.s32 v1, v4;
	_ =	sdelay $0x3  }
0x7b: {  	s24 =	rddreg [dreg:$0x1b]  }
0x7c: {  	[tilespmem:s20], [sflag:$0x1] =	stream.indirect_vreg.gather [hbm4b:s1+s3], $0x80, v4, vm0, $0xb8;
	[tilespmem:$0x1C080] =	vst v63  }
0x7d: {  	s0 =	rddreg [dreg:$0x1a];
	v3 =	vperm.xlane v3, v2  }
0x7e: {  	[tilespmem:s0], [sflag:$0x1] =	stream.indirect_vreg.gather [hbm4b:s5+s3], $0x80, v4, vm0, $0xb8;
	[tilespmem:$0x1C080] =	vst v63  }
0x7f: {  	v3 =	vadd.s32 v1, v3;
	s0 =	rddreg [dreg:$0x1c]  }
0x80: {  	[tilespmem:s24], [sflag:$0x1] =	stream.indirect_vreg.gather [hbm4b:s6+s3], $0x80, v4, vm0, $0xb8;
	[tilespmem:$0x1C080] =	vst v63  }
0x81: {  	s24 =	rddreg [dreg:$0x1d]  }
0x82: {  	[tilespmem:s0], [sflag:$0x1] =	stream.indirect_vreg.gather [hbm4b:s7+s3], $0x80, v4, vm0, $0xb8;
	[tilespmem:$0x1C080] =	vst v63  }
0x83: {  	s0 =	rddreg [dreg:$0x1e]  }
0x84: {  	[tilespmem:s24], [sflag:$0x1] =	stream.indirect_vreg.gather [hbm4b:s1+s3], $0x80, v3, vm0, $0xb8;
	[tilespmem:$0x1C080] =	vst v63  }
0x85: {  	s24 =	rddreg [dreg:$0x1f]  }
0x86: {  	[tilespmem:s0], [sflag:$0x1] =	stream.indirect_vreg.gather [hbm4b:s5+s3], $0x80, v3, vm0, $0xb8;
	[tilespmem:$0x1C080] =	vst v63  }
0x87: {  	s0 =	sld [smem:$0x7EE]  }
0x88: {  	[tilespmem:s24], [sflag:$0x1] =	stream.indirect_vreg.gather [hbm4b:s6+s3], $0x80, v3, vm0, $0xb8;
	[tilespmem:$0x1C080] =	vst v63  }
0x89: {  	_ = 	snop  }
0x8a: {  	[tilespmem:s0], [sflag:$0x1] =	stream.indirect_vreg.gather [hbm4b:s7+s3], $0x80, v3, vm0, $0xb8;
	[tilespmem:$0x1C080] =	vst v63  }
0x8b: {  	v3 =	vld [tilespmem:$0x40];
	_ =	sdelay $0x4  }
0x8c: {  	v60 =	vshll.u32 v3, $0x3  }
0x8d: {  	v3 =	vand.u32 $0x7, v3;
	v4 =	vand.u32 $0xFFFFFFC0, v60  }
0x8e: {  	v3 =	vor.u32 v3, v4  }
0x8f: {  	v4 =	vperm.xlane v3, v0;
	_ =	sdelay $0x1  }
0x90: {  	v4 =	vadd.s32 v1, v4;
	_ =	sdelay $0x3  }
0x91: {  	s0 =	sld [smem:$0x7EF]  }
0x92: {  	[tilespmem:s21], [sflag:$0x1] =	stream.indirect_vreg.gather [hbm4b:s1+s3], $0x80, v4, vm0, $0xb8;
	[tilespmem:$0x1C080] =	vst v63  }
0x93: {  	s24 =	sld [smem:$0x7F0];
	v3 =	vperm.xlane v3, v2  }
0x94: {  	[tilespmem:s0], [sflag:$0x1] =	stream.indirect_vreg.gather [hbm4b:s5+s3], $0x80, v4, vm0, $0xb8;
	[tilespmem:$0x1C080] =	vst v63  }
0x95: {  	v3 =	vadd.s32 v1, v3;
	s0 =	sld [smem:$0x7F1]  }
0x96: {  	[tilespmem:s24], [sflag:$0x1] =	stream.indirect_vreg.gather [hbm4b:s6+s3], $0x80, v4, vm0, $0xb8;
	[tilespmem:$0x1C080] =	vst v63  }
0x97: {  	s24 =	sld [smem:$0x7F2]  }
0x98: {  	[tilespmem:s0], [sflag:$0x1] =	stream.indirect_vreg.gather [hbm4b:s7+s3], $0x80, v4, vm0, $0xb8;
	[tilespmem:$0x1C080] =	vst v63  }
0x99: {  	s0 =	sld [smem:$0x7F3]  }
0x9a: {  	[tilespmem:s24], [sflag:$0x1] =	stream.indirect_vreg.gather [hbm4b:s1+s3], $0x80, v3, vm0, $0xb8;
	[tilespmem:$0x1C080] =	vst v63  }
0x9b: {  	s24 =	sld [smem:$0x7F4]  }
0x9c: {  	[tilespmem:s0], [sflag:$0x1] =	stream.indirect_vreg.gather [hbm4b:s5+s3], $0x80, v3, vm0, $0xb8;
	[tilespmem:$0x1C080] =	vst v63  }
0x9d: {  	s0 =	sld [smem:$0x7F5]  }
0x9e: {  	[tilespmem:s24], [sflag:$0x1] =	stream.indirect_vreg.gather [hbm4b:s6+s3], $0x80, v3, vm0, $0xb8;
	[tilespmem:$0x1C080] =	vst v63  }
0x9f: {  	_ = 	snop  }
0xa0: {  	[tilespmem:s0], [sflag:$0x1] =	stream.indirect_vreg.gather [hbm4b:s7+s3], $0x80, v3, vm0, $0xb8;
	[tilespmem:$0x1C080] =	vst v63  }
0xa1: {  	v3 =	vld [tilespmem:$0x50];
	_ =	sdelay $0x4  }
0xa2: {  	v61 =	vshll.u32 v3, $0x3  }
0xa3: {  	v3 =	vand.u32 $0x7, v3;
	v4 =	vand.u32 $0xFFFFFFC0, v61  }
0xa4: {  	v3 =	vor.u32 v3, v4  }
0xa5: {  	v4 =	vperm.xlane v3, v0;
	_ =	sdelay $0x1  }
0xa6: {  	v4 =	vadd.s32 v1, v4;
	_ =	sdelay $0x3  }
0xa7: {  	s0 =	sld [smem:$0x7F6]  }
0xa8: {  	[tilespmem:s22], [sflag:$0x1] =	stream.indirect_vreg.gather [hbm4b:s1+s3], $0x80, v4, vm0, $0xb8;
	[tilespmem:$0x1C080] =	vst v63  }
0xa9: {  	s24 =	sld [smem:$0x7F7];
	v3 =	vperm.xlane v3, v2  }
0xaa: {  	[tilespmem:s0], [sflag:$0x1] =	stream.indirect_vreg.gather [hbm4b:s5+s3], $0x80, v4, vm0, $0xb8;
	[tilespmem:$0x1C080] =	vst v63  }
0xab: {  	v3 =	vadd.s32 v1, v3;
	s0 =	sld [smem:$0x7F8]  }
0xac: {  	[tilespmem:s24], [sflag:$0x1] =	stream.indirect_vreg.gather [hbm4b:s6+s3], $0x80, v4, vm0, $0xb8;
	[tilespmem:$0x1C080] =	vst v63  }
0xad: {  	s24 =	sld [smem:$0x7F9]  }
0xae: {  	[tilespmem:s0], [sflag:$0x1] =	stream.indirect_vreg.gather [hbm4b:s7+s3], $0x80, v4, vm0, $0xb8;
	[tilespmem:$0x1C080] =	vst v63  }
0xaf: {  	s0 =	sld [smem:$0x7FA]  }
0xb0: {  	[tilespmem:s24], [sflag:$0x1] =	stream.indirect_vreg.gather [hbm4b:s1+s3], $0x80, v3, vm0, $0xb8;
	[tilespmem:$0x1C080] =	vst v63  }
0xb1: {  	s24 =	sld [smem:$0x7FB]  }
0xb2: {  	[tilespmem:s0], [sflag:$0x1] =	stream.indirect_vreg.gather [hbm4b:s5+s3], $0x80, v3, vm0, $0xb8;
	[tilespmem:$0x1C080] =	vst v63  }
0xb3: {  	s0 =	sld [smem:$0x7FC]  }
0xb4: {  	[tilespmem:s24], [sflag:$0x1] =	stream.indirect_vreg.gather [hbm4b:s6+s3], $0x80, v3, vm0, $0xb8;
	[tilespmem:$0x1C080] =	vst v63  }
0xb5: {  	_ = 	snop  }
0xb6: {  	[tilespmem:s0], [sflag:$0x1] =	stream.indirect_vreg.gather [hbm4b:s7+s3], $0x80, v3, vm0, $0xb8;
	[tilespmem:$0x1C080] =	vst v63  }
0xb7: {  	v3 =	vld [tilespmem:$0x60];
	_ =	sdelay $0x4  }
0xb8: {  	v62 =	vshll.u32 v3, $0x3  }
0xb9: {  	v3 =	vand.u32 $0x7, v3;
	v4 =	vand.u32 $0xFFFFFFC0, v62  }
0xba: {  	v3 =	vor.u32 v3, v4  }
0xbb: {  	v4 =	vperm.xlane v3, v0;
	_ =	sdelay $0x1  }
0xbc: {  	v4 =	vadd.s32 v1, v4;
	_ =	sdelay $0x3  }
0xbd: {  	s24 =	sld [smem:$0x7FD]  }
0xbe: {  	[tilespmem:s23], [sflag:$0x1] =	stream.indirect_vreg.gather [hbm4b:s1+s3], $0x80, v4, vm0, $0xb8;
	[tilespmem:$0x1C080] =	vst v63  }
0xbf: {  	v3 =	vperm.xlane v3, v2  }
0xc0: {  	[tilespmem:s24], [sflag:$0x1] =	stream.indirect_vreg.gather [hbm4b:s5+s3], $0x80, v4, vm0, $0xb8;
	[tilespmem:$0x1C080] =	vst v63  }
0xc1: {  	v3 =	vadd.s32 v1, v3;
	s24 =	simm.s32 $0x19080  }
0xc2: {  	[tilespmem:s24], [sflag:$0x1] =	stream.indirect_vreg.gather [hbm4b:s6+s3], $0x80, v4, vm0, $0xb8;
	[tilespmem:$0x1C080] =	vst v63  }
0xc3: {  	_ = 	snop  }
0xc4: {  	[tilespmem:s25], [sflag:$0x1] =	stream.indirect_vreg.gather [hbm4b:s7+s3], $0x80, v4, vm0, $0xb8;
	[tilespmem:$0x1C080] =	vst v63  }
0xc5: {  	_ = 	snop  }
0xc6: {  	[tilespmem:s26], [sflag:$0x1] =	stream.indirect_vreg.gather [hbm4b:s1+s3], $0x80, v3, vm0, $0xb8;
	[tilespmem:$0x1C080] =	vst v63  }
0xc7: {  	_ = 	snop  }
0xc8: {  	[tilespmem:s28], [sflag:$0x1] =	stream.indirect_vreg.gather [hbm4b:s5+s3], $0x80, v3, vm0, $0xb8;
	[tilespmem:$0x1C080] =	vst v63  }
0xc9: {  	_ = 	snop  }
0xca: {  	[tilespmem:s29], [sflag:$0x1] =	stream.indirect_vreg.gather [hbm4b:s6+s3], $0x80, v3, vm0, $0xb8;
	[tilespmem:$0x1C080] =	vst v63  }
0xcb: {  	_ = 	snop  }
0xcc: {  	[tilespmem:s30], [sflag:$0x1] =	stream.indirect_vreg.gather [hbm4b:s7+s3], $0x80, v3, vm0, $0xb8;
	[tilespmem:$0x1C080] =	vst v63  }
0xcd: {  	_ =	swait.ge [sflag:s31], $0x4000  }
0xce: {  	[sflag:s31] =	ssyncset.done $0x0  }
0xcf: {  	[sflag:s31] =	ssyncadd.s32 $0xFFFFC000  }
0xd0: {  	[hbm4b:s4+s3] =	stream.linear.scatter [tilespmem:s10], [sflag:$0x2], $0x4000, $0x38;
	[tilespmem:$0x1C080] =	vst v63  }
0xd1: {  	_ =	swait.ge [sflag:s2], $0x4000  }
0xd2: {  	[sflag:s2] =	ssyncset.done $0x0  }
0xd3: {  	[sflag:s2] =	ssyncadd.s32 $0xFFFFC000  }
0xd4: {  	v3 =	vld [tilespmem:$0x70];
	_ =	sdelay $0x4  }
0xd5: {  	v63 =	vshll.u32 v3, $0x3  }
0xd6: {  	v3 =	vand.u32 $0x7, v3;
	v4 =	vand.u32 $0xFFFFFFC0, v63  }
0xd7: {  	v3 =	vor.u32 v3, v4  }
0xd8: {  	v4 =	vperm.xlane v3, v0;
	_ =	sdelay $0x1  }
0xd9: {  	v4 =	vadd.s32 v1, v4;
	_ =	sdelay $0x4  }
0xda: {  	[tilespmem:s10], [sflag:$0x1] =	stream.indirect_vreg.gather [hbm4b:s1+s3], $0x80, v4, vm0, $0xb8;
	[tilespmem:$0x1C080] =	vst v63  }
0xdb: {  	v3 =	vperm.xlane v3, v2  }
0xdc: {  	[tilespmem:s11], [sflag:$0x1] =	stream.indirect_vreg.gather [hbm4b:s5+s3], $0x80, v4, vm0, $0xb8;
	[tilespmem:$0x1C080] =	vst v63  }
0xdd: {  	v3 =	vadd.s32 v1, v3  }
0xde: {  	[tilespmem:s12], [sflag:$0x1] =	stream.indirect_vreg.gather [hbm4b:s6+s3], $0x80, v4, vm0, $0xb8;
	[tilespmem:$0x1C080] =	vst v63  }
0xdf: {  	_ = 	snop  }
0xe0: {  	[tilespmem:s13], [sflag:$0x1] =	stream.indirect_vreg.gather [hbm4b:s7+s3], $0x80, v4, vm0, $0xb8;
	[tilespmem:$0x1C080] =	vst v63  }
0xe1: {  	_ = 	snop  }
0xe2: {  	[tilespmem:s14], [sflag:$0x1] =	stream.indirect_vreg.gather [hbm4b:s1+s3], $0x80, v3, vm0, $0xb8;
	[tilespmem:$0x1C080] =	vst v63  }
0xe3: {  	_ = 	snop  }
0xe4: {  	[tilespmem:s15], [sflag:$0x1] =	stream.indirect_vreg.gather [hbm4b:s5+s3], $0x80, v3, vm0, $0xb8;
	[tilespmem:$0x1C080] =	vst v63  }
0xe5: {  	_ = 	snop  }
0xe6: {  	[tilespmem:s16], [sflag:$0x1] =	stream.indirect_vreg.gather [hbm4b:s6+s3], $0x80, v3, vm0, $0xb8;
	[tilespmem:$0x1C080] =	vst v63  }
0xe7: {  	_ = 	snop  }
0xe8: {  	[tilespmem:s17], [sflag:$0x1] =	stream.indirect_vreg.gather [hbm4b:s7+s3], $0x80, v3, vm0, $0xb8;
	[tilespmem:$0x1C080] =	vst v63  }
0xe9: {  	_ =	swait.ge [sflag:s31], $0x4000  }
0xea: {  	[sflag:s31] =	ssyncset.done $0x0  }
0xeb: {  	s24 =	rddreg [dreg:$0x5];
	[sflag:s31] =	ssyncadd.s32 $0xFFFFC000  }
0xec: {  	[hbm4b:s24+s3] =	stream.linear.scatter [tilespmem:s18], [sflag:$0x2], $0x4000, $0x38;
	[tilespmem:$0x1C080] =	vst v63  }
0xed: {  	_ =	swait.ge [sflag:s31], $0x4000  }
0xee: {  	[sflag:s31] =	ssyncset.done $0x0  }
0xef: {  	s24 =	rddreg [dreg:$0x6];
	[sflag:s31] =	ssyncadd.s32 $0xFFFFC000  }
0xf0: {  	[hbm4b:s24+s3] =	stream.linear.scatter [tilespmem:s19], [sflag:$0x2], $0x4000, $0x38;
	[tilespmem:$0x1C080] =	vst v63  }
0xf1: {  	_ =	swait.ge [sflag:s31], $0x4000  }
0xf2: {  	[sflag:s31] =	ssyncset.done $0x0  }
0xf3: {  	s24 =	rddreg [dreg:$0x7];
	[sflag:s31] =	ssyncadd.s32 $0xFFFFC000  }
0xf4: {  	[hbm4b:s24+s3] =	stream.linear.scatter [tilespmem:s20], [sflag:$0x2], $0x4000, $0x38;
	[tilespmem:$0x1C080] =	vst v63  }
0xf5: {  	_ =	swait.ge [sflag:s31], $0x4000  }
0xf6: {  	[sflag:s31] =	ssyncset.done $0x0  }
0xf7: {  	s24 =	rddreg [dreg:$0x8];
	[sflag:s31] =	ssyncadd.s32 $0xFFFFC000  }
0xf8: {  	[hbm4b:s24+s3] =	stream.linear.scatter [tilespmem:s21], [sflag:$0x2], $0x4000, $0x38;
	[tilespmem:$0x1C080] =	vst v63  }
0xf9: {  	_ =	swait.ge [sflag:s31], $0x4000  }
0xfa: {  	[sflag:s31] =	ssyncset.done $0x0  }
0xfb: {  	s24 =	rddreg [dreg:$0x9];
	[sflag:s31] =	ssyncadd.s32 $0xFFFFC000  }
0xfc: {  	[hbm4b:s24+s3] =	stream.linear.scatter [tilespmem:s22], [sflag:$0x2], $0x4000, $0x38;
	[tilespmem:$0x1C080] =	vst v63  }
0xfd: {  	_ =	swait.ge [sflag:s31], $0x4000  }
0xfe: {  	[sflag:s31] =	ssyncset.done $0x0  }
0xff: {  	s24 =	rddreg [dreg:$0xa];
	[sflag:s31] =	ssyncadd.s32 $0xFFFFC000  }
0x100: {  	[hbm4b:s24+s3] =	stream.linear.scatter [tilespmem:s23], [sflag:$0x2], $0x4000, $0x38;
	[tilespmem:$0x1C080] =	vst v63  }
0x101: {  	_ =	swait.ge [sflag:s31], $0x4000  }
0x102: {  	[sflag:s31] =	ssyncset.done $0x0  }
0x103: {  	s24 =	rddreg [dreg:$0xb];
	[sflag:s31] =	ssyncadd.s32 $0xFFFFC000  }
0x104: {  	[hbm4b:s24+s3] =	stream.linear.scatter [tilespmem:s10], [sflag:$0x2], $0x4000, $0x38;
	[tilespmem:$0x1C080] =	vst v63  }
0x105: {  	_ =	swait.ge [sflag:s2], $0x4000  }
0x106: {  	[sflag:s2] =	ssyncset.done $0x0  }
0x107: {  	[sflag:s2] =	ssyncadd.s32 $0xFFFFC000  }
0x108: {  	_ =	swait.ge [sflag:s2], $0x4000  }
0x109: {  	[sflag:s2] =	ssyncset.done $0x0  }
0x10a: {  	[sflag:s2] =	ssyncadd.s32 $0xFFFFC000  }
0x10b: {  	_ =	swait.ge [sflag:s2], $0x4000  }
0x10c: {  	[sflag:s2] =	ssyncset.done $0x0  }
0x10d: {  	[sflag:s2] =	ssyncadd.s32 $0xFFFFC000  }
0x10e: {  	_ =	swait.ge [sflag:s2], $0x4000  }
0x10f: {  	[sflag:s2] =	ssyncset.done $0x0  }
0x110: {  	[sflag:s2] =	ssyncadd.s32 $0xFFFFC000  }
0x111: {  	_ =	swait.ge [sflag:s2], $0x4000  }
0x112: {  	[sflag:s2] =	ssyncset.done $0x0  }
0x113: {  	[sflag:s2] =	ssyncadd.s32 $0xFFFFC000  }
0x114: {  	p0 =	sne.s32 s8, $0x1;
	_ =	swait.ge [sflag:s2], $0x4000  }
.Ltmp0:
0x115: {  	[sflag:s2] =	ssyncset.done $0x0;
	(pc) =	sbr.rel @p0 .LBB2_1-.Ltmp0, $4  }
0x116: {  	[sflag:s2] =	ssyncadd.s32 $0xFFFFC000  }
0x117: {  	_ =	swait.ge [sflag:s2], $0x4000  }
0x118: {  	[sflag:s2] =	ssyncset.done $0x0  }
0x119: {  	s8 =	sadd.s32 $0xFFFFFFFF, s8;
	[sflag:s2] =	ssyncadd.s32 $0xFFFFC000  }
0x11a: {  	_ =	sfence.sel $0x180000  }
0x11b: {  	[bflag:$0x0] =	sbarrier.arrive $0xFFFF  }
0x11c: {  	_ =	strace $0x90000047  }
0x11d: {  	s0 =	stileid.u32;
	[bflag:$0x2] =	sbarrier.arrive $0xFFFF  }
0x11e: {  	p0 =	sne.s32 s0, $0x0;
	s0 =	rddreg [dreg:$0x3]  }
0x11f: {  	s0 =	sadd.s32 @!p0 $0x100000, s0  }
0x120: {  	[sflag:s0] =	ssyncadd.tile.s32 @!p0 $0x1;
	_ =	shalt  }
.Lfunc_end2:
_tile_overlayer_lowered:
.L_overlay_start_2:
0x121: {  	(tag) =	ssettag $0x2  }
0x122: {  	s0 =	rddreg [dreg:$0x0];
	s2 =	stileid.u32  }
0x123: {  	s1 =	rddreg [dreg:$0x1];
	p0 =	sne.s32 s2, $0x0  }
0x124: {  	s3 =	rddreg [dreg:$0x2];
	[bflag:$0x3] =	sbarrier.arrive $0xFFFF;
	s2 =	simm.s32 @!p0 $0x1C03  }
0x125: {  	[timem:s3], [sflag:s2] =	dma.local @!p0 [hbm:s0], s1  }
0x126: {  	s0 =	simm.s32 @!p0 $0x3  }
0x127: {  	_ =	swait.ge @!p0 [sflag:s0], s1  }
0x128: {  	s1 =	ssub.s32 @!p0 $0x0, s1;
	[sflag:s0] =	ssyncset.done @!p0 $0x0  }
0x129: {  	[sflag:s0] =	ssyncadd.s32 @!p0 s1  }
0x12a: {  	[bflag:$0x3] =	sbarrier.arrive $0xFFFF  }
0x12b: {  	_ =	shalt  }

</sc_bundles>
